<compile_context>
chip_gen: v7x
topology: tpu7x:2x2x1
jax: 0.10.2.dev20260603
libtpu: 0.0.44.dev20260713+nightly
codegen_flags: <defaults>
</compile_context>

<pallas_src>
import functools

import jax
import jax.numpy as jnp
import numpy as np
from jax import lax
from jax.experimental import pallas as pl
from jax.experimental.pallas import tpu as pltpu
from jax.experimental.pallas import tpu_sc as plsc

VOCAB = 100000
NFIELD = 26
EMB = 16
B = 4096
TOT = B * NFIELD

NC = 2
NS = 16
NW = NC * NS
PER_W = TOT // NW
CHUNK = 128
NCHUNK = PER_W // CHUNK
NPIPE = 4

_BN = float(1.0 / np.sqrt(1.0 + 1e-5))


def _sc_gather(flat_idx, emb2_flat, emb1_flat):
    mesh = plsc.VectorSubcoreMesh(core_axis_name="c", subcore_axis_name="s")

    @functools.partial(
        pl.kernel,
        mesh=mesh,
        compiler_params=pltpu.CompilerParams(use_tc_tiling_on_sc=False),
        out_type=(
            jax.ShapeDtypeStruct((TOT, EMB), jnp.float32),
            jax.ShapeDtypeStruct((TOT,), jnp.float32),
        ),
        scratch_types=[
            pltpu.VMEM((PER_W,), jnp.int32),
            pltpu.VMEM((PER_W, EMB), jnp.float32),
            pltpu.VMEM((PER_W,), jnp.float32),
            pltpu.SemaphoreType.DMA,
            pltpu.SemaphoreType.DMA,
        ],
    )
    def k(idx_hbm, e2_hbm, e1_hbm, out2, out1, idx_v, g2_v, g1_v, sem2, sem1):
        wid = lax.axis_index("s") * NC + lax.axis_index("c")
        base = wid * PER_W
        pltpu.sync_copy(idx_hbm.at[pl.ds(base, PER_W)], idx_v)

        def chunk_refs(c):
            sl = pl.ds(pl.multiple_of(c * CHUNK, 8), CHUNK)
            return (e2_hbm.at[idx_v.at[sl]], g2_v.at[sl]), (
                e1_hbm.at[idx_v.at[sl]], g1_v.at[sl])

        def fire(c):
            (s2, d2), (s1, d1) = chunk_refs(c)
            pltpu.async_copy(s2, d2, sem2)
            pltpu.async_copy(s1, d1, sem1)

        def wait_one():
            (s2, d2), (s1, d1) = chunk_refs(0)
            pltpu.make_async_copy(s2, d2, sem2).wait()
            pltpu.make_async_copy(s1, d1, sem1).wait()

        for c in range(NPIPE):
            fire(c)

        def body(c, carry):
            fire(c)
            wait_one()
            return carry

        lax.fori_loop(NPIPE, NCHUNK, body, 0)
        for _ in range(NPIPE):
            wait_one()
        pltpu.sync_copy(g2_v, out2.at[pl.ds(base, PER_W)])
        pltpu.sync_copy(g1_v, out1.at[pl.ds(base, PER_W)])

    return k(flat_idx, emb2_flat, emb1_flat)


BB = 512
NBLK = B // BB


def _tc_body(
    go2_ref, go1_ref, xv_ref, s_ref, t_ref,
    w1_ref, b1_ref, w2_ref, b2_ref, w3_ref, b3_ref,
    ga1_ref, be1_ref, ga2_ref, be2_ref, ga3_ref, be3_ref, bias_ref, out_ref,
):
    xv_w = xv_ref[...]
    xv = go2_ref[...] * jnp.dot(xv_w, s_ref[...], preferred_element_type=jnp.float32)
    s = jnp.dot(xv, t_ref[...], preferred_element_type=jnp.float32)
    f2 = 0.5 * (jnp.sum(s * s, axis=1) - jnp.sum(xv * xv, axis=1))
    f1 = jnp.sum(go1_ref[...] * xv_w, axis=1)
    h = jnp.maximum(jnp.dot(xv, w1_ref[...], preferred_element_type=jnp.float32) + b1_ref[...], 0.0)
    h = h * (ga1_ref[...] * _BN) + be1_ref[...]
    h = jnp.maximum(jnp.dot(h, w2_ref[...], preferred_element_type=jnp.float32) + b2_ref[...], 0.0)
    h = h * (ga2_ref[...] * _BN) + be2_ref[...]
    h = jnp.maximum(jnp.dot(h, w3_ref[...], preferred_element_type=jnp.float32) + b3_ref[...], 0.0)
    h = h * (ga3_ref[...] * _BN) + be3_ref[...]
    out_ref[...] = (f1 + f2 + jnp.sum(h, axis=1) + bias_ref[0]).reshape(1, 1, BB)


def _tc_call(go2, go1, Xv, S, T, w1t, b1, w2t, b2, w3t, b3,
             ga1, be1, ga2, be2, ga3, be3, bias):
    full = lambda shape: pl.BlockSpec(shape, lambda i: (0, 0))
    out = pl.pallas_call(
        _tc_body,
        grid=(NBLK,),
        in_specs=[
            pl.BlockSpec((BB, NFIELD * EMB), lambda i: (i, 0)),
            pl.BlockSpec((BB, NFIELD), lambda i: (i, 0)),
            pl.BlockSpec((BB, NFIELD), lambda i: (i, 0)),
            full((NFIELD, NFIELD * EMB)),
            full((NFIELD * EMB, EMB)),
            full((NFIELD * EMB, 32)),
            full((1, 32)),
            full((32, 32)),
            full((1, 32)),
            full((32, 32)),
            full((1, 32)),
            full((1, 32)),
            full((1, 32)),
            full((1, 32)),
            full((1, 32)),
            full((1, 32)),
            full((1, 32)),
            pl.BlockSpec(memory_space=pltpu.SMEM),
        ],
        out_specs=pl.BlockSpec((1, 1, BB), lambda i: (i, 0, 0)),
        out_shape=jax.ShapeDtypeStruct((NBLK, 1, BB), jnp.float32),
    )(go2, go1, Xv, S, T, w1t, b1, w2t, b2, w3t, b3,
      ga1, be1, ga2, be2, ga3, be3, bias)
    return out.reshape(B)


def kernel(Xi, Xv, emb1, emb2, W1, b1, W2, b2, W3, b3, g1, be1, g2, be2, g3, be3, bias):
    idx = Xi[:, :, 0].astype(jnp.int32)
    flat = idx + (jnp.arange(NFIELD, dtype=jnp.int32) * VOCAB)[None, :]
    flat = flat.reshape(TOT)
    e2f = emb2.reshape(NFIELD * VOCAB, EMB)
    e1f = emb1.reshape(NFIELD * VOCAB)
    go2, go1 = _sc_gather(flat, e2f, e1f)
    go2 = go2.reshape(B, NFIELD * EMB)
    go1 = go1.reshape(B, NFIELD)

    eye_f = jnp.eye(NFIELD, dtype=jnp.float32)
    S = jnp.repeat(eye_f, EMB, axis=1)
    T = jnp.tile(jnp.eye(EMB, dtype=jnp.float32), (NFIELD, 1))

    r = lambda v: v.reshape(1, -1)
    return _tc_call(
        go2, go1, Xv, S, T,
        W1.T, r(b1), W2.T, r(b2), W3.T, r(b3),
        r(g1), r(be1), r(g2), r(be2), r(g3), r(be3), bias,
    )

# --- scband reference (transcript-rebuilt; emitter-appended) ---
"""Pipeline reference for scband-deep-fm-37203006718008 (READ-ONLY COPY).

The authoritative reference and input builder live on the scoring server;
editing this copy changes nothing except your own understanding.
"""

import jax, jax.numpy as jnp
import numpy as np

VOCAB = 100000
NFIELD = 26
EMB = 16
HID = [32, 32, 32]
B = 4096


def setup_inputs(seed: int = 0) -> dict:
    key = jax.random.key(seed)
    ks = jax.random.split(key, 24)
    Xi = jax.random.randint(ks[0], (B, NFIELD, 1), 0, VOCAB, dtype=jnp.int64 if jax.config.jax_enable_x64 else jnp.int32)
    Xv = jax.random.uniform(ks[1], (B, NFIELD), dtype=jnp.float32)
    # fm part: stacked per-field embedding tables
    emb1 = jax.random.normal(ks[2], (NFIELD, VOCAB, 1), dtype=jnp.float32) * 0.01
    emb2 = jax.random.normal(ks[3], (NFIELD, VOCAB, EMB), dtype=jnp.float32) * 0.01
    # deep part
    dims = [NFIELD * EMB] + HID
    W1 = jax.random.normal(ks[4], (dims[1], dims[0]), dtype=jnp.float32) * (1.0 / np.sqrt(dims[0]))
    b1 = jnp.zeros((dims[1],), dtype=jnp.float32)
    W2 = jax.random.normal(ks[5], (dims[2], dims[1]), dtype=jnp.float32) * (1.0 / np.sqrt(dims[1]))
    b2 = jnp.zeros((dims[2],), dtype=jnp.float32)
    W3 = jax.random.normal(ks[6], (dims[3], dims[2]), dtype=jnp.float32) * (1.0 / np.sqrt(dims[2]))
    b3 = jnp.zeros((dims[3],), dtype=jnp.float32)
    g1 = jnp.ones((dims[1],), dtype=jnp.float32); be1 = jnp.zeros((dims[1],), dtype=jnp.float32)
    g2 = jnp.ones((dims[2],), dtype=jnp.float32); be2 = jnp.zeros((dims[2],), dtype=jnp.float32)
    g3 = jnp.ones((dims[3],), dtype=jnp.float32); be3 = jnp.zeros((dims[3],), dtype=jnp.float32)
    bias = jnp.zeros((1,), dtype=jnp.float32)
    return {"Xi": Xi, "Xv": Xv, "emb1": emb1, "emb2": emb2,
            "W1": W1, "b1": b1, "W2": W2, "b2": b2, "W3": W3, "b3": b3,
            "g1": g1, "be1": be1, "g2": g2, "be2": be2, "g3": g3, "be3": be3,
            "bias": bias}


def _batchnorm_eval(x, g, b):
    # eval-mode batchnorm with running_mean=0, running_var=1 (fresh module buffers)
    return (x - 0.0) / jnp.sqrt(1.0 + 1e-5) * g + b


def reference(Xi, Xv, emb1, emb2, W1, b1, W2, b2, W3, b3, g1, be1, g2, be2, g3, be3, bias):
    idx = Xi[:, :, 0]                       # [B, F]
    fld = jnp.arange(NFIELD)[None, :]       # [1, F]
    # fm first order: per-field 1-d embedding lookup scaled by Xv
    e1 = emb1[fld, idx]                     # [B, F, 1]  (gather)
    f1 = e1[:, :, 0] * Xv                   # [B, F]
    # fm second order
    xv = emb2[fld, idx] * Xv[:, :, None]    # [B, F, EMB] (gather)
    s1 = jnp.sum(xv, axis=1) ** 2.0         # [B, EMB]
    s2 = jnp.sum(xv ** 2.0, axis=1)         # [B, EMB]
    f2 = 0.5 * (s1 - s2)                    # [B, EMB]
    # deep part
    h = xv.reshape(xv.shape[0], -1)         # [B, F*EMB]
    h = _batchnorm_eval(jax.nn.relu(h @ W1.T + b1), g1, be1)
    h = _batchnorm_eval(jax.nn.relu(h @ W2.T + b2), g2, be2)
    h = _batchnorm_eval(jax.nn.relu(h @ W3.T + b3), g3, be3)
    total = jnp.sum(f1, axis=1) + jnp.sum(f2, axis=1) + jnp.sum(h, axis=1) + bias
    return total

if __name__ == "__main__":
    import jax
    _d = setup_inputs()
    print(jax.jit(kernel)(*tuple(_d.values())))

</pallas_src>

<mosaic_0001>
#map = affine_map<(d0, d1) -> (0)>
#map1 = affine_map<(d0, d1) -> (0, 0)>
module attributes {stable_mosaic.version = 14 : i64} {
  func.func @k(%arg0: i32, %arg1: i32, %arg2: memref<106496xi32, #tpu.memory_space<hbm>>, %arg3: memref<2600000x16xf32, #tpu.memory_space<hbm>>, %arg4: memref<2600000xf32, #tpu.memory_space<hbm>>, %arg5: memref<106496x16xf32, #tpu.memory_space<hbm>>, %arg6: memref<106496xf32, #tpu.memory_space<hbm>>, %arg7: memref<3328xi32, #tpu.memory_space<vmem>>, %arg8: memref<3328x16xf32, #tpu.memory_space<vmem>>, %arg9: memref<3328xf32, #tpu.memory_space<vmem>>, %arg10: memref<!tpu.dma_semaphore, #tpu.memory_space<semaphore_mem>>, %arg11: memref<!tpu.dma_semaphore, #tpu.memory_space<semaphore_mem>>) attributes {dimension_semantics = [#tpu.dimension_semantics<core_parallel>, #tpu.dimension_semantics<subcore_parallel>], iteration_bounds = array<i64: 2, 16>, scalar_prefetch = 0 : i64, scratch_operands = 5 : i64, tpu.core_type = #tpu.core_type<sc_vector_subcore>, window_params = [{transform_indices = #map}, {transform_indices = #map1}, {transform_indices = #map}, {transform_indices = #map1}, {transform_indices = #map}]} {
    %mul3A = arith.constant 2 : i32
    %mul3A_0 = arith.muli %arg1, %mul3A : i32
    %add3A = arith.addi %mul3A_0, %arg0 : i32
    %mul3A_1 = arith.constant 3328 : i32
    %mul3A_2 = arith.muli %add3A, %mul3A_1 : i32
    "tpu.region"() ({
      %run_scoped3A = tpu.sem_alloc : memref<!tpu.dma_semaphore, #tpu.memory_space<semaphore_mem>>
      %dma_start3A_101 = tpu.memref_slice %arg2[%mul3A_2] : memref<106496xi32, #tpu.memory_space<hbm>> -> memref<3328xi32, #tpu.memory_space<hbm>>
      %dma_start3A_102 = tpu.memref_slice %arg2[%mul3A_2] : memref<106496xi32, #tpu.memory_space<hbm>> -> memref<3328xi32, #tpu.memory_space<hbm>>
      tpu.enqueue_dma source(%dma_start3A_102 : memref<3328xi32, #tpu.memory_space<hbm>>) target(%arg7 : memref<3328xi32, #tpu.memory_space<vmem>>) target_semaphore(%run_scoped3A : memref<!tpu.dma_semaphore, #tpu.memory_space<semaphore_mem>>)
      %dma_wait3A_103 = tpu.memref_slice %arg2[%mul3A_2] : memref<106496xi32, #tpu.memory_space<hbm>> -> memref<3328xi32, #tpu.memory_space<hbm>>
      %dma_wait3A_104 = tpu.memref_slice %arg2[%mul3A_2] : memref<106496xi32, #tpu.memory_space<hbm>> -> memref<3328xi32, #tpu.memory_space<hbm>>
      tpu.wait_dma2 semaphore(%run_scoped3A : memref<!tpu.dma_semaphore, #tpu.memory_space<semaphore_mem>>) src(%dma_wait3A_104 : memref<3328xi32, #tpu.memory_space<hbm>>) dst(%arg7 : memref<3328xi32, #tpu.memory_space<vmem>>)
      tpu.yield
    }) : () -> ()
    %multiple_of3A = arith.constant 0 : i32
    %multiple_of3A_3 = tpu.assume_multiple %multiple_of3A, 8 : i32
    %dma_start3A = arith.constant 0 : i32
    %dma_start3A_4 = tpu.memref_slice %arg8[%multiple_of3A_3, %dma_start3A] : memref<3328x16xf32, #tpu.memory_space<vmem>> -> memref<128x16xf32, #tpu.memory_space<vmem>>
    %dma_start3A_5 = tpu.memref_slice %arg7[%multiple_of3A_3] : memref<3328xi32, #tpu.memory_space<vmem>> -> memref<128xi32, #tpu.memory_space<vmem>>
    %dma_start3A_6 = arith.constant 0 : i32
    %dma_start3A_7 = arith.constant 0 : i32
    %dma_start3A_8 = tpu.memref_slice %arg3[%dma_start3A_6, %dma_start3A_7] : memref<2600000x16xf32, #tpu.memory_space<hbm>> -> memref<2600000x16xf32, #tpu.memory_space<hbm>>
    tpu.enqueue_indirect_dma source(%dma_start3A_8 : memref<2600000x16xf32, #tpu.memory_space<hbm>>) target(%dma_start3A_4 : memref<128x16xf32, #tpu.memory_space<vmem>>) offsets(%dma_start3A_5 : memref<128xi32, #tpu.memory_space<vmem>>) semaphore(%arg10 : memref<!tpu.dma_semaphore, #tpu.memory_space<semaphore_mem>>)
    %dma_start3A_9 = tpu.memref_slice %arg9[%multiple_of3A_3] : memref<3328xf32, #tpu.memory_space<vmem>> -> memref<128xf32, #tpu.memory_space<vmem>>
    %dma_start3A_10 = tpu.memref_slice %arg7[%multiple_of3A_3] : memref<3328xi32, #tpu.memory_space<vmem>> -> memref<128xi32, #tpu.memory_space<vmem>>
    %dma_start3A_11 = arith.constant 0 : i32
    %dma_start3A_12 = tpu.memref_slice %arg4[%dma_start3A_11] : memref<2600000xf32, #tpu.memory_space<hbm>> -> memref<2600000xf32, #tpu.memory_space<hbm>>
    tpu.enqueue_indirect_dma source(%dma_start3A_12 : memref<2600000xf32, #tpu.memory_space<hbm>>) target(%dma_start3A_9 : memref<128xf32, #tpu.memory_space<vmem>>) offsets(%dma_start3A_10 : memref<128xi32, #tpu.memory_space<vmem>>) semaphore(%arg11 : memref<!tpu.dma_semaphore, #tpu.memory_space<semaphore_mem>>)
    %multiple_of3A_13 = arith.constant 128 : i32
    %multiple_of3A_14 = tpu.assume_multiple %multiple_of3A_13, 8 : i32
    %dma_start3A_15 = arith.constant 0 : i32
    %dma_start3A_16 = tpu.memref_slice %arg8[%multiple_of3A_14, %dma_start3A_15] : memref<3328x16xf32, #tpu.memory_space<vmem>> -> memref<128x16xf32, #tpu.memory_space<vmem>>
    %dma_start3A_17 = tpu.memref_slice %arg7[%multiple_of3A_14] : memref<3328xi32, #tpu.memory_space<vmem>> -> memref<128xi32, #tpu.memory_space<vmem>>
    %dma_start3A_18 = arith.constant 0 : i32
    %dma_start3A_19 = arith.constant 0 : i32
    %dma_start3A_20 = tpu.memref_slice %arg3[%dma_start3A_18, %dma_start3A_19] : memref<2600000x16xf32, #tpu.memory_space<hbm>> -> memref<2600000x16xf32, #tpu.memory_space<hbm>>
    tpu.enqueue_indirect_dma source(%dma_start3A_20 : memref<2600000x16xf32, #tpu.memory_space<hbm>>) target(%dma_start3A_16 : memref<128x16xf32, #tpu.memory_space<vmem>>) offsets(%dma_start3A_17 : memref<128xi32, #tpu.memory_space<vmem>>) semaphore(%arg10 : memref<!tpu.dma_semaphore, #tpu.memory_space<semaphore_mem>>)
    %dma_start3A_21 = tpu.memref_slice %arg9[%multiple_of3A_14] : memref<3328xf32, #tpu.memory_space<vmem>> -> memref<128xf32, #tpu.memory_space<vmem>>
    %dma_start3A_22 = tpu.memref_slice %arg7[%multiple_of3A_14] : memref<3328xi32, #tpu.memory_space<vmem>> -> memref<128xi32, #tpu.memory_space<vmem>>
    %dma_start3A_23 = arith.constant 0 : i32
    %dma_start3A_24 = tpu.memref_slice %arg4[%dma_start3A_23] : memref<2600000xf32, #tpu.memory_space<hbm>> -> memref<2600000xf32, #tpu.memory_space<hbm>>
    tpu.enqueue_indirect_dma source(%dma_start3A_24 : memref<2600000xf32, #tpu.memory_space<hbm>>) target(%dma_start3A_21 : memref<128xf32, #tpu.memory_space<vmem>>) offsets(%dma_start3A_22 : memref<128xi32, #tpu.memory_space<vmem>>) semaphore(%arg11 : memref<!tpu.dma_semaphore, #tpu.memory_space<semaphore_mem>>)
    %multiple_of3A_25 = arith.constant 256 : i32
    %multiple_of3A_26 = tpu.assume_multiple %multiple_of3A_25, 8 : i32
    %dma_start3A_27 = arith.constant 0 : i32
    %dma_start3A_28 = tpu.memref_slice %arg8[%multiple_of3A_26, %dma_start3A_27] : memref<3328x16xf32, #tpu.memory_space<vmem>> -> memref<128x16xf32, #tpu.memory_space<vmem>>
    %dma_start3A_29 = tpu.memref_slice %arg7[%multiple_of3A_26] : memref<3328xi32, #tpu.memory_space<vmem>> -> memref<128xi32, #tpu.memory_space<vmem>>
    %dma_start3A_30 = arith.constant 0 : i32
    %dma_start3A_31 = arith.constant 0 : i32
    %dma_start3A_32 = tpu.memref_slice %arg3[%dma_start3A_30, %dma_start3A_31] : memref<2600000x16xf32, #tpu.memory_space<hbm>> -> memref<2600000x16xf32, #tpu.memory_space<hbm>>
    tpu.enqueue_indirect_dma source(%dma_start3A_32 : memref<2600000x16xf32, #tpu.memory_space<hbm>>) target(%dma_start3A_28 : memref<128x16xf32, #tpu.memory_space<vmem>>) offsets(%dma_start3A_29 : memref<128xi32, #tpu.memory_space<vmem>>) semaphore(%arg10 : memref<!tpu.dma_semaphore, #tpu.memory_space<semaphore_mem>>)
    %dma_start3A_33 = tpu.memref_slice %arg9[%multiple_of3A_26] : memref<3328xf32, #tpu.memory_space<vmem>> -> memref<128xf32, #tpu.memory_space<vmem>>
    %dma_start3A_34 = tpu.memref_slice %arg7[%multiple_of3A_26] : memref<3328xi32, #tpu.memory_space<vmem>> -> memref<128xi32, #tpu.memory_space<vmem>>
    %dma_start3A_35 = arith.constant 0 : i32
    %dma_start3A_36 = tpu.memref_slice %arg4[%dma_start3A_35] : memref<2600000xf32, #tpu.memory_space<hbm>> -> memref<2600000xf32, #tpu.memory_space<hbm>>
    tpu.enqueue_indirect_dma source(%dma_start3A_36 : memref<2600000xf32, #tpu.memory_space<hbm>>) target(%dma_start3A_33 : memref<128xf32, #tpu.memory_space<vmem>>) offsets(%dma_start3A_34 : memref<128xi32, #tpu.memory_space<vmem>>) semaphore(%arg11 : memref<!tpu.dma_semaphore, #tpu.memory_space<semaphore_mem>>)
    %multiple_of3A_37 = arith.constant 384 : i32
    %multiple_of3A_38 = tpu.assume_multiple %multiple_of3A_37, 8 : i32
    %dma_start3A_39 = arith.constant 0 : i32
    %dma_start3A_40 = tpu.memref_slice %arg8[%multiple_of3A_38, %dma_start3A_39] : memref<3328x16xf32, #tpu.memory_space<vmem>> -> memref<128x16xf32, #tpu.memory_space<vmem>>
    %dma_start3A_41 = tpu.memref_slice %arg7[%multiple_of3A_38] : memref<3328xi32, #tpu.memory_space<vmem>> -> memref<128xi32, #tpu.memory_space<vmem>>
    %dma_start3A_42 = arith.constant 0 : i32
    %dma_start3A_43 = arith.constant 0 : i32
    %dma_start3A_44 = tpu.memref_slice %arg3[%dma_start3A_42, %dma_start3A_43] : memref<2600000x16xf32, #tpu.memory_space<hbm>> -> memref<2600000x16xf32, #tpu.memory_space<hbm>>
    tpu.enqueue_indirect_dma source(%dma_start3A_44 : memref<2600000x16xf32, #tpu.memory_space<hbm>>) target(%dma_start3A_40 : memref<128x16xf32, #tpu.memory_space<vmem>>) offsets(%dma_start3A_41 : memref<128xi32, #tpu.memory_space<vmem>>) semaphore(%arg10 : memref<!tpu.dma_semaphore, #tpu.memory_space<semaphore_mem>>)
    %dma_start3A_45 = tpu.memref_slice %arg9[%multiple_of3A_38] : memref<3328xf32, #tpu.memory_space<vmem>> -> memref<128xf32, #tpu.memory_space<vmem>>
    %dma_start3A_46 = tpu.memref_slice %arg7[%multiple_of3A_38] : memref<3328xi32, #tpu.memory_space<vmem>> -> memref<128xi32, #tpu.memory_space<vmem>>
    %dma_start3A_47 = arith.constant 0 : i32
    %dma_start3A_48 = tpu.memref_slice %arg4[%dma_start3A_47] : memref<2600000xf32, #tpu.memory_space<hbm>> -> memref<2600000xf32, #tpu.memory_space<hbm>>
    tpu.enqueue_indirect_dma source(%dma_start3A_48 : memref<2600000xf32, #tpu.memory_space<hbm>>) target(%dma_start3A_45 : memref<128xf32, #tpu.memory_space<vmem>>) offsets(%dma_start3A_46 : memref<128xi32, #tpu.memory_space<vmem>>) semaphore(%arg11 : memref<!tpu.dma_semaphore, #tpu.memory_space<semaphore_mem>>)
    %scan3A = arith.constant 0 : i32
    %scan3A_49 = arith.constant 4 : i32
    %scan3A_50 = arith.constant 22 : i32
    %scan3A_51 = arith.addi %scan3A_49, %scan3A_50 : i32
    %scan3A_52 = arith.constant 1 : i32
    scf.for %scan3A_101 = %scan3A_49 to %scan3A_51 step %scan3A_52  : i32 {
      %mul3A_102 = arith.constant 128 : i32
      %mul3A_103 = arith.muli %scan3A_101, %mul3A_102 : i32
      %multiple_of3A_104 = tpu.assume_multiple %mul3A_103, 8 : i32
      %dma_start3A_105 = arith.constant 0 : i32
      %dma_start3A_106 = tpu.memref_slice %arg8[%multiple_of3A_104, %dma_start3A_105] : memref<3328x16xf32, #tpu.memory_space<vmem>> -> memref<128x16xf32, #tpu.memory_space<vmem>>
      %dma_start3A_107 = tpu.memref_slice %arg7[%multiple_of3A_104] : memref<3328xi32, #tpu.memory_space<vmem>> -> memref<128xi32, #tpu.memory_space<vmem>>
      %dma_start3A_108 = arith.constant 0 : i32
      %dma_start3A_109 = arith.constant 0 : i32
      %dma_start3A_110 = tpu.memref_slice %arg3[%dma_start3A_108, %dma_start3A_109] : memref<2600000x16xf32, #tpu.memory_space<hbm>> -> memref<2600000x16xf32, #tpu.memory_space<hbm>>
      tpu.enqueue_indirect_dma source(%dma_start3A_110 : memref<2600000x16xf32, #tpu.memory_space<hbm>>) target(%dma_start3A_106 : memref<128x16xf32, #tpu.memory_space<vmem>>) offsets(%dma_start3A_107 : memref<128xi32, #tpu.memory_space<vmem>>) semaphore(%arg10 : memref<!tpu.dma_semaphore, #tpu.memory_space<semaphore_mem>>)
      %dma_start3A_111 = tpu.memref_slice %arg9[%multiple_of3A_104] : memref<3328xf32, #tpu.memory_space<vmem>> -> memref<128xf32, #tpu.memory_space<vmem>>
      %dma_start3A_112 = tpu.memref_slice %arg7[%multiple_of3A_104] : memref<3328xi32, #tpu.memory_space<vmem>> -> memref<128xi32, #tpu.memory_space<vmem>>
      %dma_start3A_113 = arith.constant 0 : i32
      %dma_start3A_114 = tpu.memref_slice %arg4[%dma_start3A_113] : memref<2600000xf32, #tpu.memory_space<hbm>> -> memref<2600000xf32, #tpu.memory_space<hbm>>
      tpu.enqueue_indirect_dma source(%dma_start3A_114 : memref<2600000xf32, #tpu.memory_space<hbm>>) target(%dma_start3A_111 : memref<128xf32, #tpu.memory_space<vmem>>) offsets(%dma_start3A_112 : memref<128xi32, #tpu.memory_space<vmem>>) semaphore(%arg11 : memref<!tpu.dma_semaphore, #tpu.memory_space<semaphore_mem>>)
      %multiple_of3A_115 = arith.constant 0 : i32
      %multiple_of3A_116 = tpu.assume_multiple %multiple_of3A_115, 8 : i32
      %dma_wait3A_117 = arith.constant 0 : i32
      %dma_wait3A_118 = tpu.memref_slice %arg8[%multiple_of3A_116, %dma_wait3A_117] : memref<3328x16xf32, #tpu.memory_space<vmem>> -> memref<128x16xf32, #tpu.memory_space<vmem>>
      %dma_wait3A_119 = tpu.memref_slice %arg7[%multiple_of3A_116] : memref<3328xi32, #tpu.memory_space<vmem>> -> memref<128xi32, #tpu.memory_space<vmem>>
      %dma_wait3A_120 = arith.constant 0 : i32
      %dma_wait3A_121 = arith.constant 0 : i32
      %dma_wait3A_122 = tpu.memref_slice %arg3[%dma_wait3A_120, %dma_wait3A_121] : memref<2600000x16xf32, #tpu.memory_space<hbm>> -> memref<2600000x16xf32, #tpu.memory_space<hbm>>
      tpu.wait_indirect_dma semaphore(%arg10 : memref<!tpu.dma_semaphore, #tpu.memory_space<semaphore_mem>>) src(%dma_wait3A_122 : memref<2600000x16xf32, #tpu.memory_space<hbm>>) dst(%dma_wait3A_118 : memref<128x16xf32, #tpu.memory_space<vmem>>)
      %dma_wait3A_123 = tpu.memref_slice %arg9[%multiple_of3A_116] : memref<3328xf32, #tpu.memory_space<vmem>> -> memref<128xf32, #tpu.memory_space<vmem>>
      %dma_wait3A_124 = tpu.memref_slice %arg7[%multiple_of3A_116] : memref<3328xi32, #tpu.memory_space<vmem>> -> memref<128xi32, #tpu.memory_space<vmem>>
      %dma_wait3A_125 = arith.constant 0 : i32
      %dma_wait3A_126 = tpu.memref_slice %arg4[%dma_wait3A_125] : memref<2600000xf32, #tpu.memory_space<hbm>> -> memref<2600000xf32, #tpu.memory_space<hbm>>
      tpu.wait_indirect_dma semaphore(%arg11 : memref<!tpu.dma_semaphore, #tpu.memory_space<semaphore_mem>>) src(%dma_wait3A_126 : memref<2600000xf32, #tpu.memory_space<hbm>>) dst(%dma_wait3A_123 : memref<128xf32, #tpu.memory_space<vmem>>)
    }
    %scan3A_53 = arith.constant 22 : i32
    %multiple_of3A_54 = arith.constant 0 : i32
    %multiple_of3A_55 = tpu.assume_multiple %multiple_of3A_54, 8 : i32
    %dma_wait3A = arith.constant 0 : i32
    %dma_wait3A_56 = tpu.memref_slice %arg8[%multiple_of3A_55, %dma_wait3A] : memref<3328x16xf32, #tpu.memory_space<vmem>> -> memref<128x16xf32, #tpu.memory_space<vmem>>
    %dma_wait3A_57 = tpu.memref_slice %arg7[%multiple_of3A_55] : memref<3328xi32, #tpu.memory_space<vmem>> -> memref<128xi32, #tpu.memory_space<vmem>>
    %dma_wait3A_58 = arith.constant 0 : i32
    %dma_wait3A_59 = arith.constant 0 : i32
    %dma_wait3A_60 = tpu.memref_slice %arg3[%dma_wait3A_58, %dma_wait3A_59] : memref<2600000x16xf32, #tpu.memory_space<hbm>> -> memref<2600000x16xf32, #tpu.memory_space<hbm>>
    tpu.wait_indirect_dma semaphore(%arg10 : memref<!tpu.dma_semaphore, #tpu.memory_space<semaphore_mem>>) src(%dma_wait3A_60 : memref<2600000x16xf32, #tpu.memory_space<hbm>>) dst(%dma_wait3A_56 : memref<128x16xf32, #tpu.memory_space<vmem>>)
    %dma_wait3A_61 = tpu.memref_slice %arg9[%multiple_of3A_55] : memref<3328xf32, #tpu.memory_space<vmem>> -> memref<128xf32, #tpu.memory_space<vmem>>
    %dma_wait3A_62 = tpu.memref_slice %arg7[%multiple_of3A_55] : memref<3328xi32, #tpu.memory_space<vmem>> -> memref<128xi32, #tpu.memory_space<vmem>>
    %dma_wait3A_63 = arith.constant 0 : i32
    %dma_wait3A_64 = tpu.memref_slice %arg4[%dma_wait3A_63] : memref<2600000xf32, #tpu.memory_space<hbm>> -> memref<2600000xf32, #tpu.memory_space<hbm>>
    tpu.wait_indirect_dma semaphore(%arg11 : memref<!tpu.dma_semaphore, #tpu.memory_space<semaphore_mem>>) src(%dma_wait3A_64 : memref<2600000xf32, #tpu.memory_space<hbm>>) dst(%dma_wait3A_61 : memref<128xf32, #tpu.memory_space<vmem>>)
    %multiple_of3A_65 = arith.constant 0 : i32
    %multiple_of3A_66 = tpu.assume_multiple %multiple_of3A_65, 8 : i32
    %dma_wait3A_67 = arith.constant 0 : i32
    %dma_wait3A_68 = tpu.memref_slice %arg8[%multiple_of3A_66, %dma_wait3A_67] : memref<3328x16xf32, #tpu.memory_space<vmem>> -> memref<128x16xf32, #tpu.memory_space<vmem>>
    %dma_wait3A_69 = tpu.memref_slice %arg7[%multiple_of3A_66] : memref<3328xi32, #tpu.memory_space<vmem>> -> memref<128xi32, #tpu.memory_space<vmem>>
    %dma_wait3A_70 = arith.constant 0 : i32
    %dma_wait3A_71 = arith.constant 0 : i32
    %dma_wait3A_72 = tpu.memref_slice %arg3[%dma_wait3A_70, %dma_wait3A_71] : memref<2600000x16xf32, #tpu.memory_space<hbm>> -> memref<2600000x16xf32, #tpu.memory_space<hbm>>
    tpu.wait_indirect_dma semaphore(%arg10 : memref<!tpu.dma_semaphore, #tpu.memory_space<semaphore_mem>>) src(%dma_wait3A_72 : memref<2600000x16xf32, #tpu.memory_space<hbm>>) dst(%dma_wait3A_68 : memref<128x16xf32, #tpu.memory_space<vmem>>)
    %dma_wait3A_73 = tpu.memref_slice %arg9[%multiple_of3A_66] : memref<3328xf32, #tpu.memory_space<vmem>> -> memref<128xf32, #tpu.memory_space<vmem>>
    %dma_wait3A_74 = tpu.memref_slice %arg7[%multiple_of3A_66] : memref<3328xi32, #tpu.memory_space<vmem>> -> memref<128xi32, #tpu.memory_space<vmem>>
    %dma_wait3A_75 = arith.constant 0 : i32
    %dma_wait3A_76 = tpu.memref_slice %arg4[%dma_wait3A_75] : memref<2600000xf32, #tpu.memory_space<hbm>> -> memref<2600000xf32, #tpu.memory_space<hbm>>
    tpu.wait_indirect_dma semaphore(%arg11 : memref<!tpu.dma_semaphore, #tpu.memory_space<semaphore_mem>>) src(%dma_wait3A_76 : memref<2600000xf32, #tpu.memory_space<hbm>>) dst(%dma_wait3A_73 : memref<128xf32, #tpu.memory_space<vmem>>)
    %multiple_of3A_77 = arith.constant 0 : i32
    %multiple_of3A_78 = tpu.assume_multiple %multiple_of3A_77, 8 : i32
    %dma_wait3A_79 = arith.constant 0 : i32
    %dma_wait3A_80 = tpu.memref_slice %arg8[%multiple_of3A_78, %dma_wait3A_79] : memref<3328x16xf32, #tpu.memory_space<vmem>> -> memref<128x16xf32, #tpu.memory_space<vmem>>
    %dma_wait3A_81 = tpu.memref_slice %arg7[%multiple_of3A_78] : memref<3328xi32, #tpu.memory_space<vmem>> -> memref<128xi32, #tpu.memory_space<vmem>>
    %dma_wait3A_82 = arith.constant 0 : i32
    %dma_wait3A_83 = arith.constant 0 : i32
    %dma_wait3A_84 = tpu.memref_slice %arg3[%dma_wait3A_82, %dma_wait3A_83] : memref<2600000x16xf32, #tpu.memory_space<hbm>> -> memref<2600000x16xf32, #tpu.memory_space<hbm>>
    tpu.wait_indirect_dma semaphore(%arg10 : memref<!tpu.dma_semaphore, #tpu.memory_space<semaphore_mem>>) src(%dma_wait3A_84 : memref<2600000x16xf32, #tpu.memory_space<hbm>>) dst(%dma_wait3A_80 : memref<128x16xf32, #tpu.memory_space<vmem>>)
    %dma_wait3A_85 = tpu.memref_slice %arg9[%multiple_of3A_78] : memref<3328xf32, #tpu.memory_space<vmem>> -> memref<128xf32, #tpu.memory_space<vmem>>
    %dma_wait3A_86 = tpu.memref_slice %arg7[%multiple_of3A_78] : memref<3328xi32, #tpu.memory_space<vmem>> -> memref<128xi32, #tpu.memory_space<vmem>>
    %dma_wait3A_87 = arith.constant 0 : i32
    %dma_wait3A_88 = tpu.memref_slice %arg4[%dma_wait3A_87] : memref<2600000xf32, #tpu.memory_space<hbm>> -> memref<2600000xf32, #tpu.memory_space<hbm>>
    tpu.wait_indirect_dma semaphore(%arg11 : memref<!tpu.dma_semaphore, #tpu.memory_space<semaphore_mem>>) src(%dma_wait3A_88 : memref<2600000xf32, #tpu.memory_space<hbm>>) dst(%dma_wait3A_85 : memref<128xf32, #tpu.memory_space<vmem>>)
    %multiple_of3A_89 = arith.constant 0 : i32
    %multiple_of3A_90 = tpu.assume_multiple %multiple_of3A_89, 8 : i32
    %dma_wait3A_91 = arith.constant 0 : i32
    %dma_wait3A_92 = tpu.memref_slice %arg8[%multiple_of3A_90, %dma_wait3A_91] : memref<3328x16xf32, #tpu.memory_space<vmem>> -> memref<128x16xf32, #tpu.memory_space<vmem>>
    %dma_wait3A_93 = tpu.memref_slice %arg7[%multiple_of3A_90] : memref<3328xi32, #tpu.memory_space<vmem>> -> memref<128xi32, #tpu.memory_space<vmem>>
    %dma_wait3A_94 = arith.constant 0 : i32
    %dma_wait3A_95 = arith.constant 0 : i32
    %dma_wait3A_96 = tpu.memref_slice %arg3[%dma_wait3A_94, %dma_wait3A_95] : memref<2600000x16xf32, #tpu.memory_space<hbm>> -> memref<2600000x16xf32, #tpu.memory_space<hbm>>
    tpu.wait_indirect_dma semaphore(%arg10 : memref<!tpu.dma_semaphore, #tpu.memory_space<semaphore_mem>>) src(%dma_wait3A_96 : memref<2600000x16xf32, #tpu.memory_space<hbm>>) dst(%dma_wait3A_92 : memref<128x16xf32, #tpu.memory_space<vmem>>)
    %dma_wait3A_97 = tpu.memref_slice %arg9[%multiple_of3A_90] : memref<3328xf32, #tpu.memory_space<vmem>> -> memref<128xf32, #tpu.memory_space<vmem>>
    %dma_wait3A_98 = tpu.memref_slice %arg7[%multiple_of3A_90] : memref<3328xi32, #tpu.memory_space<vmem>> -> memref<128xi32, #tpu.memory_space<vmem>>
    %dma_wait3A_99 = arith.constant 0 : i32
    %dma_wait3A_100 = tpu.memref_slice %arg4[%dma_wait3A_99] : memref<2600000xf32, #tpu.memory_space<hbm>> -> memref<2600000xf32, #tpu.memory_space<hbm>>
    tpu.wait_indirect_dma semaphore(%arg11 : memref<!tpu.dma_semaphore, #tpu.memory_space<semaphore_mem>>) src(%dma_wait3A_100 : memref<2600000xf32, #tpu.memory_space<hbm>>) dst(%dma_wait3A_97 : memref<128xf32, #tpu.memory_space<vmem>>)
    "tpu.region"() ({
      %run_scoped3A = tpu.sem_alloc : memref<!tpu.dma_semaphore, #tpu.memory_space<semaphore_mem>>
      %dma_start3A_101 = arith.constant 0 : i32
      %dma_start3A_102 = tpu.memref_slice %arg5[%mul3A_2, %dma_start3A_101] : memref<106496x16xf32, #tpu.memory_space<hbm>> -> memref<3328x16xf32, #tpu.memory_space<hbm>>
      %dma_start3A_103 = arith.constant 0 : i32
      %dma_start3A_104 = tpu.memref_slice %arg5[%mul3A_2, %dma_start3A_103] : memref<106496x16xf32, #tpu.memory_space<hbm>> -> memref<3328x16xf32, #tpu.memory_space<hbm>>
      tpu.enqueue_dma source(%arg8 : memref<3328x16xf32, #tpu.memory_space<vmem>>) target(%dma_start3A_104 : memref<3328x16xf32, #tpu.memory_space<hbm>>) target_semaphore(%run_scoped3A : memref<!tpu.dma_semaphore, #tpu.memory_space<semaphore_mem>>)
      %dma_wait3A_105 = arith.constant 0 : i32
      %dma_wait3A_106 = tpu.memref_slice %arg5[%mul3A_2, %dma_wait3A_105] : memref<106496x16xf32, #tpu.memory_space<hbm>> -> memref<3328x16xf32, #tpu.memory_space<hbm>>
      %dma_wait3A_107 = arith.constant 0 : i32
      %dma_wait3A_108 = tpu.memref_slice %arg5[%mul3A_2, %dma_wait3A_107] : memref<106496x16xf32, #tpu.memory_space<hbm>> -> memref<3328x16xf32, #tpu.memory_space<hbm>>
      tpu.wait_dma2 semaphore(%run_scoped3A : memref<!tpu.dma_semaphore, #tpu.memory_space<semaphore_mem>>) src(%arg8 : memref<3328x16xf32, #tpu.memory_space<vmem>>) dst(%dma_wait3A_108 : memref<3328x16xf32, #tpu.memory_space<hbm>>)
      tpu.yield
    }) : () -> ()
    "tpu.region"() ({
      %run_scoped3A = tpu.sem_alloc : memref<!tpu.dma_semaphore, #tpu.memory_space<semaphore_mem>>
      %dma_start3A_101 = tpu.memref_slice %arg6[%mul3A_2] : memref<106496xf32, #tpu.memory_space<hbm>> -> memref<3328xf32, #tpu.memory_space<hbm>>
      %dma_start3A_102 = tpu.memref_slice %arg6[%mul3A_2] : memref<106496xf32, #tpu.memory_space<hbm>> -> memref<3328xf32, #tpu.memory_space<hbm>>
      tpu.enqueue_dma source(%arg9 : memref<3328xf32, #tpu.memory_space<vmem>>) target(%dma_start3A_102 : memref<3328xf32, #tpu.memory_space<hbm>>) target_semaphore(%run_scoped3A : memref<!tpu.dma_semaphore, #tpu.memory_space<semaphore_mem>>)
      %dma_wait3A_103 = tpu.memref_slice %arg6[%mul3A_2] : memref<106496xf32, #tpu.memory_space<hbm>> -> memref<3328xf32, #tpu.memory_space<hbm>>
      %dma_wait3A_104 = tpu.memref_slice %arg6[%mul3A_2] : memref<106496xf32, #tpu.memory_space<hbm>> -> memref<3328xf32, #tpu.memory_space<hbm>>
      tpu.wait_dma2 semaphore(%run_scoped3A : memref<!tpu.dma_semaphore, #tpu.memory_space<semaphore_mem>>) src(%arg9 : memref<3328xf32, #tpu.memory_space<vmem>>) dst(%dma_wait3A_104 : memref<3328xf32, #tpu.memory_space<hbm>>)
      tpu.yield
    }) : () -> ()
    return
  }
}

module attributes {stable_mosaic.version = 14 : i64} {
  func.func @_tc_body(%arg0: i32, %arg1: memref<512x416xf32, #tpu.memory_space<vmem>>, %arg2: memref<512x26xf32, #tpu.memory_space<vmem>>, %arg3: memref<512x26xf32, #tpu.memory_space<vmem>>, %arg4: memref<26x416xf32, #tpu.memory_space<vmem>>, %arg5: memref<416x16xf32, #tpu.memory_space<vmem>>, %arg6: memref<416x32xf32, #tpu.memory_space<vmem>>, %arg7: memref<1x32xf32, #tpu.memory_space<vmem>>, %arg8: memref<32x32xf32, #tpu.memory_space<vmem>>, %arg9: memref<1x32xf32, #tpu.memory_space<vmem>>, %arg10: memref<32x32xf32, #tpu.memory_space<vmem>>, %arg11: memref<1x32xf32, #tpu.memory_space<vmem>>, %arg12: memref<1x32xf32, #tpu.memory_space<vmem>>, %arg13: memref<1x32xf32, #tpu.memory_space<vmem>>, %arg14: memref<1x32xf32, #tpu.memory_space<vmem>>, %arg15: memref<1x32xf32, #tpu.memory_space<vmem>>, %arg16: memref<1x32xf32, #tpu.memory_space<vmem>>, %arg17: memref<1x32xf32, #tpu.memory_space<vmem>>, %arg18: memref<1xf32, #tpu.memory_space<smem>>, %arg19: memref<1x1x512xf32, #tpu.memory_space<vmem>>) attributes {dimension_semantics = [#tpu.dimension_semantics<arbitrary>], iteration_bounds = array<i64: 8>, scalar_prefetch = 0 : i64, scratch_operands = 0 : i64, tpu.core_type = #tpu.core_type<tc>, window_params = [{transform_indices = @transform_0, window_bounds = array<i64: 512, 416>}, {transform_indices = @transform_1, window_bounds = array<i64: 512, 26>}, {transform_indices = @transform_2, window_bounds = array<i64: 512, 26>}, {pipeline_mode = #tpu.pipeline_mode<synchronous>, transform_indices = @transform_3, window_bounds = array<i64: 26, 416>}, {pipeline_mode = #tpu.pipeline_mode<synchronous>, transform_indices = @transform_4, window_bounds = array<i64: 416, 16>}, {pipeline_mode = #tpu.pipeline_mode<synchronous>, transform_indices = @transform_5, window_bounds = array<i64: 416, 32>}, {pipeline_mode = #tpu.pipeline_mode<synchronous>, transform_indices = @transform_6, window_bounds = array<i64: 1, 32>}, {pipeline_mode = #tpu.pipeline_mode<synchronous>, transform_indices = @transform_7, window_bounds = array<i64: 32, 32>}, {pipeline_mode = #tpu.pipeline_mode<synchronous>, transform_indices = @transform_8, window_bounds = array<i64: 1, 32>}, {pipeline_mode = #tpu.pipeline_mode<synchronous>, transform_indices = @transform_9, window_bounds = array<i64: 32, 32>}, {pipeline_mode = #tpu.pipeline_mode<synchronous>, transform_indices = @transform_10, window_bounds = array<i64: 1, 32>}, {pipeline_mode = #tpu.pipeline_mode<synchronous>, transform_indices = @transform_11, window_bounds = array<i64: 1, 32>}, {pipeline_mode = #tpu.pipeline_mode<synchronous>, transform_indices = @transform_12, window_bounds = array<i64: 1, 32>}, {pipeline_mode = #tpu.pipeline_mode<synchronous>, transform_indices = @transform_13, window_bounds = array<i64: 1, 32>}, {pipeline_mode = #tpu.pipeline_mode<synchronous>, transform_indices = @transform_14, window_bounds = array<i64: 1, 32>}, {pipeline_mode = #tpu.pipeline_mode<synchronous>, transform_indices = @transform_15, window_bounds = array<i64: 1, 32>}, {pipeline_mode = #tpu.pipeline_mode<synchronous>, transform_indices = @transform_16, window_bounds = array<i64: 1, 32>}, {transform_indices = @transform_17, window_bounds = array<i64: 1>}, {transform_indices = @transform_18, window_bounds = array<i64: 1, 1, 512>}]} {
    %get3A = arith.constant 0 : index
    %get3A_0 = arith.constant 0 : index
    %get3A_1 = vector.load %arg3[%get3A, %get3A_0] : memref<512x26xf32, #tpu.memory_space<vmem>>, vector<512x26xf32>
    %get3A_2 = arith.constant 0 : index
    %get3A_3 = arith.constant 0 : index
    %get3A_4 = vector.load %arg1[%get3A_2, %get3A_3] : memref<512x416xf32, #tpu.memory_space<vmem>>, vector<512x416xf32>
    %get3A_5 = arith.constant 0 : index
    %get3A_6 = arith.constant 0 : index
    %get3A_7 = vector.load %arg4[%get3A_5, %get3A_6] : memref<26x416xf32, #tpu.memory_space<vmem>>, vector<26x416xf32>
    %dot_general3A = arith.constant dense<0.000000e+00> : vector<512x416xf32>
    %dot_general3A_8 = tpu.matmul %get3A_1, %get3A_7, %dot_general3A {dimension_numbers = #tpu.dot_dimension_numbers<[1], [0], [0], [1], [0, 0, 1, 1], [], []>, transpose_lhs_hint = false} : vector<512x26xf32>, vector<26x416xf32>, vector<512x416xf32> -> vector<512x416xf32>
    %mul3A = arith.mulf %get3A_4, %dot_general3A_8 : vector<512x416xf32>
    %get3A_9 = arith.constant 0 : index
    %get3A_10 = arith.constant 0 : index
    %get3A_11 = vector.load %arg5[%get3A_9, %get3A_10] : memref<416x16xf32, #tpu.memory_space<vmem>>, vector<416x16xf32>
    %dot_general3A_12 = arith.constant dense<0.000000e+00> : vector<512x16xf32>
    %dot_general3A_13 = tpu.matmul %mul3A, %get3A_11, %dot_general3A_12 {dimension_numbers = #tpu.dot_dimension_numbers<[1], [0], [0], [1], [0, 0, 1, 1], [], []>, transpose_lhs_hint = false} : vector<512x416xf32>, vector<416x16xf32>, vector<512x16xf32> -> vector<512x16xf32>
    %mul3A_14 = arith.mulf %dot_general3A_13, %dot_general3A_13 : vector<512x16xf32>
    %reduce_sum3A = arith.constant dense<0.000000e+00> : vector<512xf32>
    %reduce_sum3A_15 = vector.multi_reduction <add>, %mul3A_14, %reduce_sum3A [1] : vector<512x16xf32> to vector<512xf32>
    %mul3A_16 = arith.mulf %mul3A, %mul3A : vector<512x416xf32>
    %reduce_sum3A_17 = arith.constant dense<0.000000e+00> : vector<512xf32>
    %reduce_sum3A_18 = vector.multi_reduction <add>, %mul3A_16, %reduce_sum3A_17 [1] : vector<512x416xf32> to vector<512xf32>
    %sub3A = arith.subf %reduce_sum3A_15, %reduce_sum3A_18 : vector<512xf32>
    %mul3A_19 = arith.constant 5.000000e-01 : f32
    %mul3A_20 = vector.broadcast %mul3A_19 : f32 to vector<512xf32>
    %mul3A_21 = arith.mulf %mul3A_20, %sub3A : vector<512xf32>
    %get3A_22 = arith.constant 0 : index
    %get3A_23 = arith.constant 0 : index
    %get3A_24 = vector.load %arg2[%get3A_22, %get3A_23] : memref<512x26xf32, #tpu.memory_space<vmem>>, vector<512x26xf32>
    %mul3A_25 = arith.mulf %get3A_24, %get3A_1 : vector<512x26xf32>
    %reduce_sum3A_26 = arith.constant dense<0.000000e+00> : vector<512xf32>
    %reduce_sum3A_27 = vector.multi_reduction <add>, %mul3A_25, %reduce_sum3A_26 [1] : vector<512x26xf32> to vector<512xf32>
    %get3A_28 = arith.constant 0 : index
    %get3A_29 = arith.constant 0 : index
    %get3A_30 = vector.load %arg6[%get3A_28, %get3A_29] : memref<416x32xf32, #tpu.memory_space<vmem>>, vector<416x32xf32>
    %dot_general3A_31 = arith.constant dense<0.000000e+00> : vector<512x32xf32>
    %dot_general3A_32 = tpu.matmul %mul3A, %get3A_30, %dot_general3A_31 {dimension_numbers = #tpu.dot_dimension_numbers<[1], [0], [0], [1], [0, 0, 1, 1], [], []>, transpose_lhs_hint = false} : vector<512x416xf32>, vector<416x32xf32>, vector<512x32xf32> -> vector<512x32xf32>
    %get3A_33 = arith.constant 0 : index
    %get3A_34 = arith.constant 0 : index
    %get3A_35 = vector.load %arg7[%get3A_33, %get3A_34] : memref<1x32xf32, #tpu.memory_space<vmem>>, vector<1x32xf32>
    %add3A = vector.broadcast %get3A_35 : vector<1x32xf32> to vector<512x32xf32>
    %add3A_36 = arith.addf %dot_general3A_32, %add3A : vector<512x32xf32>
    %max3A = arith.constant 0.000000e+00 : f32
    %max3A_37 = vector.broadcast %max3A : f32 to vector<512x32xf32>
    %max3A_38 = arith.maximumf %add3A_36, %max3A_37 : vector<512x32xf32>
    %get3A_39 = arith.constant 0 : index
    %get3A_40 = arith.constant 0 : index
    %get3A_41 = vector.load %arg12[%get3A_39, %get3A_40] : memref<1x32xf32, #tpu.memory_space<vmem>>, vector<1x32xf32>
    %mul3A_42 = arith.constant 0.999994993 : f32
    %mul3A_43 = vector.broadcast %mul3A_42 : f32 to vector<1x32xf32>
    %mul3A_44 = arith.mulf %get3A_41, %mul3A_43 : vector<1x32xf32>
    %mul3A_45 = vector.broadcast %mul3A_44 : vector<1x32xf32> to vector<512x32xf32>
    %mul3A_46 = arith.mulf %max3A_38, %mul3A_45 : vector<512x32xf32>
    %get3A_47 = arith.constant 0 : index
    %get3A_48 = arith.constant 0 : index
    %get3A_49 = vector.load %arg13[%get3A_47, %get3A_48] : memref<1x32xf32, #tpu.memory_space<vmem>>, vector<1x32xf32>
    %add3A_50 = vector.broadcast %get3A_49 : vector<1x32xf32> to vector<512x32xf32>
    %add3A_51 = arith.addf %mul3A_46, %add3A_50 : vector<512x32xf32>
    %get3A_52 = arith.constant 0 : index
    %get3A_53 = arith.constant 0 : index
    %get3A_54 = vector.load %arg8[%get3A_52, %get3A_53] : memref<32x32xf32, #tpu.memory_space<vmem>>, vector<32x32xf32>
    %dot_general3A_55 = arith.constant dense<0.000000e+00> : vector<512x32xf32>
    %dot_general3A_56 = tpu.matmul %add3A_51, %get3A_54, %dot_general3A_55 {dimension_numbers = #tpu.dot_dimension_numbers<[1], [0], [0], [1], [0, 0, 1, 1], [], []>, transpose_lhs_hint = false} : vector<512x32xf32>, vector<32x32xf32>, vector<512x32xf32> -> vector<512x32xf32>
    %get3A_57 = arith.constant 0 : index
    %get3A_58 = arith.constant 0 : index
    %get3A_59 = vector.load %arg9[%get3A_57, %get3A_58] : memref<1x32xf32, #tpu.memory_space<vmem>>, vector<1x32xf32>
    %add3A_60 = vector.broadcast %get3A_59 : vector<1x32xf32> to vector<512x32xf32>
    %add3A_61 = arith.addf %dot_general3A_56, %add3A_60 : vector<512x32xf32>
    %max3A_62 = arith.constant 0.000000e+00 : f32
    %max3A_63 = vector.broadcast %max3A_62 : f32 to vector<512x32xf32>
    %max3A_64 = arith.maximumf %add3A_61, %max3A_63 : vector<512x32xf32>
    %get3A_65 = arith.constant 0 : index
    %get3A_66 = arith.constant 0 : index
    %get3A_67 = vector.load %arg14[%get3A_65, %get3A_66] : memref<1x32xf32, #tpu.memory_space<vmem>>, vector<1x32xf32>
    %mul3A_68 = arith.constant 0.999994993 : f32
    %mul3A_69 = vector.broadcast %mul3A_68 : f32 to vector<1x32xf32>
    %mul3A_70 = arith.mulf %get3A_67, %mul3A_69 : vector<1x32xf32>
    %mul3A_71 = vector.broadcast %mul3A_70 : vector<1x32xf32> to vector<512x32xf32>
    %mul3A_72 = arith.mulf %max3A_64, %mul3A_71 : vector<512x32xf32>
    %get3A_73 = arith.constant 0 : index
    %get3A_74 = arith.constant 0 : index
    %get3A_75 = vector.load %arg15[%get3A_73, %get3A_74] : memref<1x32xf32, #tpu.memory_space<vmem>>, vector<1x32xf32>
    %add3A_76 = vector.broadcast %get3A_75 : vector<1x32xf32> to vector<512x32xf32>
    %add3A_77 = arith.addf %mul3A_72, %add3A_76 : vector<512x32xf32>
    %get3A_78 = arith.constant 0 : index
    %get3A_79 = arith.constant 0 : index
    %get3A_80 = vector.load %arg10[%get3A_78, %get3A_79] : memref<32x32xf32, #tpu.memory_space<vmem>>, vector<32x32xf32>
    %dot_general3A_81 = arith.constant dense<0.000000e+00> : vector<512x32xf32>
    %dot_general3A_82 = tpu.matmul %add3A_77, %get3A_80, %dot_general3A_81 {dimension_numbers = #tpu.dot_dimension_numbers<[1], [0], [0], [1], [0, 0, 1, 1], [], []>, transpose_lhs_hint = false} : vector<512x32xf32>, vector<32x32xf32>, vector<512x32xf32> -> vector<512x32xf32>
    %get3A_83 = arith.constant 0 : index
    %get3A_84 = arith.constant 0 : index
    %get3A_85 = vector.load %arg11[%get3A_83, %get3A_84] : memref<1x32xf32, #tpu.memory_space<vmem>>, vector<1x32xf32>
    %add3A_86 = vector.broadcast %get3A_85 : vector<1x32xf32> to vector<512x32xf32>
    %add3A_87 = arith.addf %dot_general3A_82, %add3A_86 : vector<512x32xf32>
    %max3A_88 = arith.constant 0.000000e+00 : f32
    %max3A_89 = vector.broadcast %max3A_88 : f32 to vector<512x32xf32>
    %max3A_90 = arith.maximumf %add3A_87, %max3A_89 : vector<512x32xf32>
    %get3A_91 = arith.constant 0 : index
    %get3A_92 = arith.constant 0 : index
    %get3A_93 = vector.load %arg16[%get3A_91, %get3A_92] : memref<1x32xf32, #tpu.memory_space<vmem>>, vector<1x32xf32>
    %mul3A_94 = arith.constant 0.999994993 : f32
    %mul3A_95 = vector.broadcast %mul3A_94 : f32 to vector<1x32xf32>
    %mul3A_96 = arith.mulf %get3A_93, %mul3A_95 : vector<1x32xf32>
    %mul3A_97 = vector.broadcast %mul3A_96 : vector<1x32xf32> to vector<512x32xf32>
    %mul3A_98 = arith.mulf %max3A_90, %mul3A_97 : vector<512x32xf32>
    %get3A_99 = arith.constant 0 : index
    %get3A_100 = arith.constant 0 : index
    %get3A_101 = vector.load %arg17[%get3A_99, %get3A_100] : memref<1x32xf32, #tpu.memory_space<vmem>>, vector<1x32xf32>
    %add3A_102 = vector.broadcast %get3A_101 : vector<1x32xf32> to vector<512x32xf32>
    %add3A_103 = arith.addf %mul3A_98, %add3A_102 : vector<512x32xf32>
    %add3A_104 = arith.addf %reduce_sum3A_27, %mul3A_21 : vector<512xf32>
    %reduce_sum3A_105 = arith.constant dense<0.000000e+00> : vector<512xf32>
    %reduce_sum3A_106 = vector.multi_reduction <add>, %add3A_103, %reduce_sum3A_105 [1] : vector<512x32xf32> to vector<512xf32>
    %add3A_107 = arith.addf %add3A_104, %reduce_sum3A_106 : vector<512xf32>
    %get3A_108 = arith.constant 0 : index
    %get3A_109 = memref.load %arg18[%get3A_108] : memref<1xf32, #tpu.memory_space<smem>>
    %add3A_110 = vector.broadcast %get3A_109 : f32 to vector<512xf32>
    %add3A_111 = arith.addf %add3A_107, %add3A_110 : vector<512xf32>
    %reshape3A = vector.shape_cast %add3A_111 : vector<512xf32> to vector<1x1x512xf32>
    %swap3A = arith.constant 0 : index
    %swap3A_112 = arith.constant 0 : index
    %swap3A_113 = arith.constant 0 : index
    %swap3A_114 = vector.load %arg19[%swap3A, %swap3A_112, %swap3A_113] : memref<1x1x512xf32, #tpu.memory_space<vmem>>, vector<1x1x512xf32>
    tpu.vector_store %arg19[%swap3A, %swap3A_112, %swap3A_113], %reshape3A {strides = array<i32>} : memref<1x1x512xf32, #tpu.memory_space<vmem>>, vector<1x1x512xf32>,
    return
  }
  func.func @transform_0(%arg0: i32) -> (i32, i32) {
    %c0_i32 = arith.constant 0 : i32
    %c0_i32_0 = arith.constant 0 : i32
    return %arg0, %c0_i32 : i32, i32
  }
  func.func @transform_1(%arg0: i32) -> (i32, i32) {
    %c0_i32 = arith.constant 0 : i32
    %c0_i32_0 = arith.constant 0 : i32
    return %arg0, %c0_i32 : i32, i32
  }
  func.func @transform_2(%arg0: i32) -> (i32, i32) {
    %c0_i32 = arith.constant 0 : i32
    %c0_i32_0 = arith.constant 0 : i32
    return %arg0, %c0_i32 : i32, i32
  }
  func.func @transform_3(%arg0: i32) -> (i32, i32) {
    %c0_i32 = arith.constant 0 : i32
    %c0_i32_0 = arith.constant 0 : i32
    %c0_i32_1 = arith.constant 0 : i32
    return %c0_i32, %c0_i32_0 : i32, i32
  }
  func.func @transform_4(%arg0: i32) -> (i32, i32) {
    %c0_i32 = arith.constant 0 : i32
    %c0_i32_0 = arith.constant 0 : i32
    %c0_i32_1 = arith.constant 0 : i32
    return %c0_i32, %c0_i32_0 : i32, i32
  }
  func.func @transform_5(%arg0: i32) -> (i32, i32) {
    %c0_i32 = arith.constant 0 : i32
    %c0_i32_0 = arith.constant 0 : i32
    %c0_i32_1 = arith.constant 0 : i32
    return %c0_i32, %c0_i32_0 : i32, i32
  }
  func.func @transform_6(%arg0: i32) -> (i32, i32) {
    %c0_i32 = arith.constant 0 : i32
    %c0_i32_0 = arith.constant 0 : i32
    %c0_i32_1 = arith.constant 0 : i32
    return %c0_i32, %c0_i32_0 : i32, i32
  }
  func.func @transform_7(%arg0: i32) -> (i32, i32) {
    %c0_i32 = arith.constant 0 : i32
    %c0_i32_0 = arith.constant 0 : i32
    %c0_i32_1 = arith.constant 0 : i32
    return %c0_i32, %c0_i32_0 : i32, i32
  }
  func.func @transform_8(%arg0: i32) -> (i32, i32) {
    %c0_i32 = arith.constant 0 : i32
    %c0_i32_0 = arith.constant 0 : i32
    %c0_i32_1 = arith.constant 0 : i32
    return %c0_i32, %c0_i32_0 : i32, i32
  }
  func.func @transform_9(%arg0: i32) -> (i32, i32) {
    %c0_i32 = arith.constant 0 : i32
    %c0_i32_0 = arith.constant 0 : i32
    %c0_i32_1 = arith.constant 0 : i32
    return %c0_i32, %c0_i32_0 : i32, i32
  }
  func.func @transform_10(%arg0: i32) -> (i32, i32) {
    %c0_i32 = arith.constant 0 : i32
    %c0_i32_0 = arith.constant 0 : i32
    %c0_i32_1 = arith.constant 0 : i32
    return %c0_i32, %c0_i32_0 : i32, i32
  }
  func.func @transform_11(%arg0: i32) -> (i32, i32) {
    %c0_i32 = arith.constant 0 : i32
    %c0_i32_0 = arith.constant 0 : i32
    %c0_i32_1 = arith.constant 0 : i32
    return %c0_i32, %c0_i32_0 : i32, i32
  }
  func.func @transform_12(%arg0: i32) -> (i32, i32) {
    %c0_i32 = arith.constant 0 : i32
    %c0_i32_0 = arith.constant 0 : i32
    %c0_i32_1 = arith.constant 0 : i32
    return %c0_i32, %c0_i32_0 : i32, i32
  }
  func.func @transform_13(%arg0: i32) -> (i32, i32) {
    %c0_i32 = arith.constant 0 : i32
    %c0_i32_0 = arith.constant 0 : i32
    %c0_i32_1 = arith.constant 0 : i32
    return %c0_i32, %c0_i32_0 : i32, i32
  }
  func.func @transform_14(%arg0: i32) -> (i32, i32) {
    %c0_i32 = arith.constant 0 : i32
    %c0_i32_0 = arith.constant 0 : i32
    %c0_i32_1 = arith.constant 0 : i32
    return %c0_i32, %c0_i32_0 : i32, i32
  }
  func.func @transform_15(%arg0: i32) -> (i32, i32) {
    %c0_i32 = arith.constant 0 : i32
    %c0_i32_0 = arith.constant 0 : i32
    %c0_i32_1 = arith.constant 0 : i32
    return %c0_i32, %c0_i32_0 : i32, i32
  }
  func.func @transform_16(%arg0: i32) -> (i32, i32) {
    %c0_i32 = arith.constant 0 : i32
    %c0_i32_0 = arith.constant 0 : i32
    %c0_i32_1 = arith.constant 0 : i32
    return %c0_i32, %c0_i32_0 : i32, i32
  }
  func.func @transform_17(%arg0: i32) -> i32 {
    %c0_i32 = arith.constant 0 : i32
    %c0_i32_0 = arith.constant 0 : i32
    return %c0_i32 : i32
  }
  func.func @transform_18(%arg0: i32) -> (i32, i32, i32) {
    %c0_i32 = arith.constant 0 : i32
    %c0_i32_0 = arith.constant 0 : i32
    %c0_i32_1 = arith.constant 0 : i32
    return %arg0, %c0_i32, %c0_i32_0 : i32, i32, i32
  }
}

</mosaic_0001>

<sc_bundles>
// kernel: kernel.4.cloned.1.call-start
scs
__scs_entry_jumppad:
0x0: {  	(pc) =	sbr.rel $0x88, $3  }
0x1: {  	(tag) =	ssettag $0x0;
	lr =	simm.s32 $0x1  }
0x2: {  	[smem:$0x3F90] =	sst lr;
	_ =	strace $0xD0000000  }
0x3: {  	_ = 	snop  }
0x4: {  	_ = 	snop  }
0x5: {  	_ = 	snop  }
0x6: {  	_ = 	snop  }
0x7: {  	_ = 	snop  }
__scs_overlays_trampoline_lowered:
0x8: {  	[smem:$0x3F9F] =	sst s0  }
0x9: {  	[smem:$0x3FA0] =	sst s1  }
0xa: {  	[smem:$0x3FA1] =	sst s2  }
0xb: {  	[smem:$0x3FA2] =	sst s3  }
0xc: {  	[smem:$0x3FA3] =	sst s4  }
0xd: {  	[smem:$0x3FA4] =	sst s5  }
0xe: {  	[smem:$0x3FA5] =	sst s6  }
0xf: {  	[smem:$0x3FA6] =	sst s7  }
0x10: {  	[smem:$0x3FA7] =	sst s8  }
0x11: {  	[smem:$0x3FA8] =	sst s9;
	s0 =	simm.s32 @!p0 $0x0  }
0x12: {  	s1 =	sld [smem:$0x3F8E];
	s0 =	simm.s32 @p0 $0x1  }
0x13: {  	[smem:$0x3FA9] =	sst s0;
	s0 =	simm.s32 @!p1 $0x0  }
0x14: {  	s2 =	sld [smem:$0x3F8D];
	s0 =	simm.s32 @p1 $0x1  }
0x15: {  	[smem:$0x3FAA] =	sst s0;
	s0 =	simm.s32 @!p2 $0x0  }
0x16: {  	s3 =	sld [smem:$0x3FDB];
	s0 =	simm.s32 @p2 $0x1  }
0x17: {  	s4 =	simm.s32 $0x1BF5;
	[smem:$0x3FAC] =	sst s0  }
0x18: {  	s0 =	sld [smem:$0x3F8F];
	_ =	swait.ge [sflag:s4], $0x0  }
0x19: {  	s7 =	sld [smem:$0x3F90]  }
0x1a: {  	s8 =	sadd.s32 $0xFFFFE003, lr  }
0x1b: {  	s9 =	sadd.s32 $0xFFFFFEF7, lr;
	s5 =	simm.s32 $0xFFFFFFFF;
	p2 =	slt.u32 s8, $0xFFFFF086  }
0x1c: {  	p1 =	slt.u32 s9, $0xF7A;
	s5 =	simm.s32 @!p2 $0x0  }
0x1d: {  	s5 =	simm.s32 @p1 $0x1;
	p0 =	seq.s32 s7, s2  }
0x1e: {  	s7 =	smul.u32 @!p0 $0xF7A, s2;
	p2 =	seq.s32 @!p0 s5, $0x0  }
0x1f: {  	s9 =	smul.u32 $0xF7A, s1;
	s8 =	simm.s32 @!p0 $0x1BF5;
	p2 =	por !p2, p0  }
0x20: {  	[sflag:s8] =	ssyncset.s32 @!p0 $0xFFFFF086;
	s6 =	sadd.s32 @!p0 s3, s7;
	s7 =	simm.s32 @!p0 $0x108  }
0x21: {  	s3 =	sadd.s32 s3, s9;
	s6 =	sadd.s32 @!p0 $0x88, s6;
	s7 =	simm.s32 @p2 $0x1082  }
0x22: {  	[simem:s7], [sflag:s8] =	dma.local @!p0 [hbm:s6], $0xF7A  }
0x23: {  	s9 =	sor.u32 $0xD0000000, s2;
	s6 =	simm.s32 $0x108;
	_ =	swait.ge @!p0 [sflag:s8], $0x0  }
0x24: {  	s3 =	sadd.s32 $0x88, s3;
	s6 =	simm.s32 @!p1 $0x1082;
	[sflag:s4] =	ssyncset.s32 $0xFFFFF086  }
0x25: {  	[simem:s6], [sflag:s4] =	dma.local [hbm:s3], $0xF7A  }
0x26: {  	[smem:$0x3F90] =	sst s1;
	(tag) =	ssettag s2;
	_ =	strace s9  }
0x27: {  	s1 =	sld [smem:$0x3FA0]  }
0x28: {  	s2 =	sld [smem:$0x3FA1]  }
0x29: {  	s4 =	sld [smem:$0x3FA3]  }
0x2a: {  	p0 =	seq.s32 s5, $0x0;
	s5 =	sld [smem:$0x3FA4]  }
0x2b: {  	s6 =	sld [smem:$0x3FA5]  }
0x2c: {  	s7 =	sld [smem:$0x3FA6]  }
0x2d: {  	s3 =	simm.s32 $0x108;
	s8 =	sld [smem:$0x3FA7]  }
0x2e: {  	s3 =	simm.s32 @!p0 $0x1082;
	s9 =	sld [smem:$0x3FA8]  }
0x2f: {  	lr =	sadd.s32 s0, s3;
	s0 =	sld [smem:$0x3F9F]  }
0x30: {  	s3 =	sld [smem:$0x3FA2]  }
0x31: {  	[smem:$0x3FAB] =	sst s10  }
0x32: {  	s10 =	sld [smem:$0x3FA9];
	_ =	sdelay $0x3  }
0x33: {  	p0 =	seq.s32 s10, $0x1;
	s10 =	sld [smem:$0x3FAB];
	_ =	sdelay $0x3  }
0x34: {  	[smem:$0x3FAB] =	sst s10  }
0x35: {  	s10 =	sld [smem:$0x3FAA];
	_ =	sdelay $0x3  }
0x36: {  	p1 =	seq.s32 s10, $0x1;
	s10 =	sld [smem:$0x3FAB];
	_ =	sdelay $0x3  }
0x37: {  	[smem:$0x3FAB] =	sst s10  }
0x38: {  	s10 =	sld [smem:$0x3FAC]  }
0x39: {  	_ = 	snop;
	(pc) =	sbr.ind lr, $3  }
0x3a: {  	_ = 	snop  }
0x3b: {  	_ = 	snop  }
0x3c: {  	p2 =	seq.s32 s10, $0x1;
	s10 =	sld [smem:$0x3FAB]  }
0x3d: {  	_ =	shalt  }
0x3e: {  	_ =	shalt  }
0x3f: {  	_ =	shalt  }
0x40: {  	_ =	shalt  }
0x41: {  	_ =	shalt  }
0x42: {  	_ =	shalt  }
0x43: {  	_ =	shalt  }
0x44: {  	_ =	shalt  }
0x45: {  	_ =	shalt  }
0x46: {  	_ =	shalt  }
0x47: {  	_ =	shalt  }
0x48: {  	_ =	shalt  }
0x49: {  	_ =	shalt  }
0x4a: {  	_ =	shalt  }
0x4b: {  	_ =	shalt  }
0x4c: {  	_ =	shalt  }
0x4d: {  	_ =	shalt  }
0x4e: {  	_ =	shalt  }
0x4f: {  	_ =	shalt  }
0x50: {  	_ =	shalt  }
0x51: {  	_ =	shalt  }
0x52: {  	_ =	shalt  }
0x53: {  	_ =	shalt  }
0x54: {  	_ =	shalt  }
0x55: {  	_ =	shalt  }
0x56: {  	_ =	shalt  }
0x57: {  	_ =	shalt  }
0x58: {  	_ =	shalt  }
0x59: {  	_ =	shalt  }
0x5a: {  	_ =	shalt  }
0x5b: {  	_ =	shalt  }
0x5c: {  	_ =	shalt  }
0x5d: {  	_ =	shalt  }
0x5e: {  	_ =	shalt  }
0x5f: {  	_ =	shalt  }
0x60: {  	_ =	shalt  }
0x61: {  	_ =	shalt  }
0x62: {  	_ =	shalt  }
0x63: {  	_ =	shalt  }
0x64: {  	_ =	shalt  }
0x65: {  	_ =	shalt  }
0x66: {  	_ =	shalt  }
0x67: {  	_ =	shalt  }
0x68: {  	_ =	shalt  }
0x69: {  	_ =	shalt  }
0x6a: {  	_ =	shalt  }
0x6b: {  	_ =	shalt  }
0x6c: {  	_ =	shalt  }
0x6d: {  	_ =	shalt  }
0x6e: {  	_ =	shalt  }
0x6f: {  	_ =	shalt  }
0x70: {  	_ =	shalt  }
0x71: {  	_ =	shalt  }
0x72: {  	_ =	shalt  }
0x73: {  	_ =	shalt  }
0x74: {  	_ =	shalt  }
0x75: {  	_ =	shalt  }
0x76: {  	_ =	shalt  }
0x77: {  	_ =	shalt  }
0x78: {  	_ =	shalt  }
0x79: {  	_ =	shalt  }
0x7a: {  	_ =	shalt  }
0x7b: {  	_ =	shalt  }
0x7c: {  	_ =	shalt  }
0x7d: {  	_ =	shalt  }
0x7e: {  	_ =	shalt  }
0x7f: {  	_ =	shalt  }
0x80: {  	_ =	shalt  }
0x81: {  	_ =	shalt  }
0x82: {  	_ =	shalt  }
0x83: {  	_ =	shalt  }
0x84: {  	_ =	shalt  }
0x85: {  	_ =	shalt  }
0x86: {  	_ =	shalt  }
0x87: {  	_ =	shalt  }
.Lfunc_end0:
.L_simem_size_0:
called_computation_lowered:
.L_overlay_start_0:
0x88: {  	s2 =	sld [smem:$0x3FD9]  }
0x89: {  	s3 =	sld [smem:$0x3FFE];
	_ =	sdelay $0x1  }
0x8a: {  	s1 =	srdreg.scid  }
0x8b: {  	s0 =	sand.u32 $0x1, s1  }
0x8c: {  	s16 =	sshll.u32 s0, $0xA;
	s2 =	sadd.s32 s3, s2  }
0x8d: {  	s2 =	sadd.s32 s2, s16  }
0x8e: {  	[smem:$0x3FB7] =	sst s2  }
0x8f: {  	_ = 	snop  }
0x90: {  	(tm) =	ssettm $0x1  }
0x91: {  	s17 =	sld [smem:$0x3FFB];
	_ =	sdelay $0x3  }
0x92: {  	_ =	strace s17  }
0x93: {  	s2 =	sld [smem:$0x3FFC];
	_ =	sdelay $0x3  }
0x94: {  	_ =	strace s2  }
0x95: {  	s2 =	sld [smem:$0x3FFD];
	_ =	sdelay $0x3  }
0x96: {  	_ =	strace s2  }
0x97: {  	_ =	strace $0x8FFFFFFF  }
0x98: {  	s18 =	sld [smem:$0x3FDB];
	_ =	sdelay $0x1  }
0x99: {  	s19 =	simm.s32 $_scs_section_size  }
0x9a: {  	s4 =	simm.s32 $_size__tile_overlayer_lowered;
	s5 =	simm.s32 $_tile_overlayer_lowered  }
0x9b: {  	s22 =	simm.s32 $0x1BFF;
	s21 =	sshll.u32 s5, $0x1;
	s2 =	sadd.s32 s19, s18  }
0x9c: {  	s6 =	simm.s32 $0x0;
	s20 =	sshll.u32 s4, $0x1;
	s4 =	sadd.s32 s21, s2  }
0x9d: {  	[timem:s6], [sflag:s22] =	dma.local [hbm:s4], s20  }
0x9e: {  	_ =	swait.ge [sflag:s22], s20  }
0x9f: {  	s3 =	ssub.s32 $0x0, s20;
	[sflag:s22] =	ssyncset.done $0x0  }
0xa0: {  	[sflag:s22] =	ssyncadd.s32 s3;
	_ =	sdelay $0x1  }
0xa1: {  	s23 =	simm.s32 $0x1B8B  }
0xa2: {  	_ =	swait.ge [sflag:s23], $0x1  }
0xa3: {  	[sflag:s23] =	ssyncset.done $0x0  }
0xa4: {  	s25 =	simm.s32 $0x1B8E;
	s24 =	sld [smem:$0x3FFE];
	[sflag:s23] =	ssyncadd.s32 $0xFFFFFFFF  }
0xa5: {  	s26 =	simm.s32 $execute0_lowered;
	[smem:$0x3FD2] =	sst s25  }
0xa6: {  	s4 =	sshll.u32 s26, $0x1;
	_ =	strace $0x80000046;
	[dreg:$0x1] =	wrdreg $0xFFFFFFFF  }
0xa7: {  	s28 =	simm.s32 $_size_execute0_lowered;
	s2 =	sadd.s32 s2, s4;
	[dreg:$0x0] =	wrdreg $0x0  }
0xa8: {  	s4 =	sshll.u32 s28, $0x1;
	[dreg:$0x2] =	wrdreg s2  }
0xa9: {  	[dreg:$0x3] =	wrdreg s4  }
0xaa: {  	[dreg:$0x4] =	wrdreg $0xC0  }
0xab: {  	_ =	task [dreg:s6], $0x5FFFF  }
0xac: {  	[dreg:$0x1] =	wrdreg $0xFFFFFFFF  }
0xad: {  	[dreg:$0x0] =	wrdreg $0x60  }
0xae: {  	[dreg:$0x2] =	wrdreg s24  }
0xaf: {  	[dreg:$0x3] =	wrdreg $0x9  }
0xb0: {  	_ =	task.clear_ibuf [dreg:s6], $0x4FFFF;
	_ =	strace $0x90000046  }
0xb1: {  	s29 =	simm.s32 $0x9;
	_ =	strace $0x80000048  }
0xb2: {  	_ =	swait.ge [sflag:s29], $0x1  }
0xb3: {  	[sflag:s29] =	ssyncadd.s32 $0xFFFFFFFF  }
0xb4: {  	_ =	strace $0x90000048  }
0xb5: {  	_ =	sfence  }
0xb6: {  	s30 =	sld [smem:$0x0];
	_ =	sdelay $0x2  }
0xb7: {  	s31 =	sshll.u32 s1, $0xD;
	s1 =	sshrl.u32 s1, $0x2  }
0xb8: {  	s3 =	sand.u32 $0x4000, s31;
	s1 =	sadd.s32 s1, s30  }
0xb9: {  	s0 =	sor.u32 s3, s0;
	s1 =	sshll.u32 s1, $0x11  }
0xba: {  	s0 =	sor.u32 s1, s0  }
0xbb: {  	s0 =	sadd.s32 $0x8F2B, s0  }
0xbc: {  	[sflag:s0] =	ssyncadd.remote.s32 $0x1  }
0xbd: {  	_ =	sfence.sel $0xFFFF  }
0xbe: {  	[dreg:$0x0] =	wrdreg $0xFFFFFFFF;
	(pc) =	sbr.abs _section_cstart, $3  }
0xbf: {  	[dreg:$0x1] =	wrdreg $0xFFFFFFFF  }
0xc0: {  	_ =	task.clear_ibuf [dreg:s6], $0x2FFFF;
	_ =	strace $0x9FFFFFFF  }
0xc1: {  	(tm) =	ssettm $0x7FFFFFFF  }
tec
execute0_lowered:
.L_overlay_start_1:
0x0: {  	(tag) =	ssettag $0x1  }
0x1: {  	s5 =	rddreg [dreg:$0x0]  }
0x2: {  	s0 =	rddreg [dreg:$0x1]  }
0x3: {  	s3 =	srdreg.scid;
	s1 =	stileid.u32;
	s2 =	simm.s32 $0x0  }
0x4: {  	s10 =	simm.s32 $0x80;
	s11 =	simm.s32 $0xD00;
	s12 =	simm.s32 $0xDD00  }
0x5: {  	s13 =	simm.s32 $0x1500;
	s14 =	simm.s32 $0xDD80;
	s15 =	simm.s32 $0x100  }
0x6: {  	s16 =	simm.s32 $0x1D00;
	s17 =	simm.s32 $0xDE00;
	s18 =	simm.s32 $0x180  }
0x7: {  	s19 =	simm.s32 $0x2500;
	s20 =	simm.s32 $0xDE80;
	s21 =	simm.s32 $0x1  }
0x8: {  	s22 =	simm.s32 $0x2;
	s4 =	sand.u32 $0x1, s3;
	s31 =	sshll.u32 s1, $0x1  }
0x9: {  	s23 =	simm.s32 $0x0;
	[smem:$0x7FF] =	sst s2;
	s6 =	sor.u32 s4, s31  }
0xa: {  	s3 =	sadd.s32 $0x27AEA00, s5;
	s8 =	ssub.s32 $0x2, s4;
	s7 =	smul.u32 $0x1A0, s6  }
0xb: {  	_ =	strace $0x80000047;
	s6 =	smul.u32 $0x1A00, s6;
	s9 =	sshrl.u32 s8, $0x1  }
0xc: {  	s4 =	sadd.s32 $0x2600, s5;
	s8 =	ssub.s32 s8, s9;
	s9 =	simm.s32 $0x3  }
0xd: {  	s7 =	sadd.s32 s7, s5;
	s6 =	sadd.s32 s6, s5;
	s8 =	smax.u32 s8, $0x1  }
0xe: {  	s5 =	sadd.s32 $0x51C00, s7;
	s6 =	sadd.s32 $0x55000, s6;
	s7 =	sadd.s32 $0x89000, s7  }
.LBB2_1:
0xf: {  	[tilespmem:s2], [sflag:$0x3] =	stream.linear.gather [hbm4b:s5+s2], $0xD00, $0x38;
	[tilespmem:$0xEA00] =	vst v63  }
0x10: {  	_ =	swait.ge [sflag:s9], $0xD00  }
0x11: {  	[sflag:s9] =	ssyncset.done $0x0  }
0x12: {  	[sflag:s9] =	ssyncadd.s32 $0xFFFFF300  }
0x13: {  	[tilespmem:s11], [sflag:$0x1] =	stream.indirect.gather [hbm4b:s3+s10], $0x10, s2, s10, $0xb8;
	[tilespmem:$0xEA00] =	vst v63  }
0x14: {  	_ = 	snop  }
0x15: {  	[tilespmem:s12], [sflag:$0x2] =	stream.indirect.gather [hbm4b:s4+s10], $0x1, s2, s10, $0xb8;
	[tilespmem:$0xEA00] =	vst v63  }
0x16: {  	_ = 	snop  }
0x17: {  	[tilespmem:s13], [sflag:$0x1] =	stream.indirect.gather [hbm4b:s3+s10], $0x10, s10, s10, $0xb8;
	[tilespmem:$0xEA00] =	vst v63  }
0x18: {  	_ = 	snop  }
0x19: {  	[tilespmem:s14], [sflag:$0x2] =	stream.indirect.gather [hbm4b:s4+s10], $0x1, s10, s10, $0xb8;
	[tilespmem:$0xEA00] =	vst v63  }
0x1a: {  	_ = 	snop  }
0x1b: {  	[tilespmem:s16], [sflag:$0x1] =	stream.indirect.gather [hbm4b:s3+s10], $0x10, s15, s10, $0xb8;
	[tilespmem:$0xEA00] =	vst v63  }
0x1c: {  	_ = 	snop  }
0x1d: {  	[tilespmem:s17], [sflag:$0x2] =	stream.indirect.gather [hbm4b:s4+s10], $0x1, s15, s10, $0xb8;
	[tilespmem:$0xEA00] =	vst v63  }
0x1e: {  	_ = 	snop  }
0x1f: {  	[tilespmem:s19], [sflag:$0x1] =	stream.indirect.gather [hbm4b:s3+s10], $0x10, s18, s10, $0xb8;
	[tilespmem:$0xEA00] =	vst v63  }
0x20: {  	_ = 	snop  }
0x21: {  	[tilespmem:s20], [sflag:$0x2] =	stream.indirect.gather [hbm4b:s4+s10], $0x1, s18, s10, $0xb8;
	[tilespmem:$0xEA00] =	vst v63  }
0x22: {  	s24 =	simm.s32 $0x2D00;
	s25 =	simm.s32 $0x200  }
0x23: {  	[tilespmem:s24], [sflag:$0x1] =	stream.indirect.gather [hbm4b:s3+s10], $0x10, s25, s10, $0xb8;
	[tilespmem:$0xEA00] =	vst v63  }
0x24: {  	s31 =	simm.s32 $0xDF00  }
0x25: {  	[tilespmem:s31], [sflag:$0x2] =	stream.indirect.gather [hbm4b:s4+s10], $0x1, s25, s10, $0xb8;
	[tilespmem:$0xEA00] =	vst v63  }
0x26: {  	_ =	swait.ge [sflag:s21], $0x800  }
0x27: {  	[sflag:s21] =	ssyncset.done $0x0  }
0x28: {  	[sflag:s21] =	ssyncadd.s32 $0xFFFFF800  }
0x29: {  	s26 =	simm.s32 $0xC00;
	_ =	swait.ge [sflag:s22], $0x80  }
0x2a: {  	s24 =	simm.s32 $0xA00;
	s25 =	simm.s32 $0x3500;
	[sflag:s22] =	ssyncset.done $0x0  }
.LBB2_2:
0x2b: {  	s28 =	sshra.s32 s24, $0x2  }
0x2c: {  	[sflag:s22] =	ssyncadd.s32 $0xFFFFFF80;
	s24 =	smov.u32 s26;
	s29 =	sadd.s32 $0x200, s26  }
0x2d: {  	[tilespmem:s25], [sflag:$0x1] =	stream.indirect.gather [hbm4b:s3+s10], $0x10, s28, s10, $0xb8;
	[tilespmem:$0xEA00] =	vst v63  }
0x2e: {  	p0 =	sne.s32 s26, $0x3200;
	s26 =	sadd.s32 $0xDD00, s28  }
0x2f: {  	[tilespmem:s26], [sflag:$0x2] =	stream.indirect.gather [hbm4b:s4+s10], $0x1, s28, s10, $0xb8;
	[tilespmem:$0xEA00] =	vst v63  }
.Ltmp0:
0x30: {  	_ =	swait.ge [sflag:s21], $0x800;
	(pc) =	sbr.rel @p0 .LBB2_2-.Ltmp0, $4  }
0x31: {  	[sflag:s21] =	ssyncset.done $0x0  }
0x32: {  	[sflag:s21] =	ssyncadd.s32 $0xFFFFF800  }
0x33: {  	_ =	swait.ge [sflag:s22], $0x80  }
0x34: {  	s25 =	sadd.s32 $0x800, s25;
	s26 =	smov.u32 s29;
	[sflag:s22] =	ssyncset.done $0x0  }
0x35: {  	s24 =	sshra.s32 s24, $0x2;
	[sflag:s22] =	ssyncadd.s32 $0xFFFFFF80  }
0x36: {  	[tilespmem:s25], [sflag:$0x1] =	stream.indirect.gather [hbm4b:s3+s10], $0x10, s24, s10, $0xb8;
	[tilespmem:$0xEA00] =	vst v63  }
0x37: {  	s31 =	sadd.s32 $0xDD00, s24  }
0x38: {  	[tilespmem:s31], [sflag:$0x2] =	stream.indirect.gather [hbm4b:s4+s10], $0x1, s24, s10, $0xb8;
	[tilespmem:$0xEA00] =	vst v63  }
0x39: {  	_ =	swait.ge [sflag:s21], $0x800  }
0x3a: {  	[sflag:s21] =	ssyncset.done $0x0  }
0x3b: {  	[sflag:s21] =	ssyncadd.s32 $0xFFFFF800  }
0x3c: {  	_ =	swait.ge [sflag:s22], $0x80  }
0x3d: {  	[sflag:s22] =	ssyncset.done $0x0  }
0x3e: {  	[sflag:s22] =	ssyncadd.s32 $0xFFFFFF80  }
0x3f: {  	_ =	swait.ge [sflag:s21], $0x800  }
0x40: {  	[sflag:s21] =	ssyncset.done $0x0  }
0x41: {  	[sflag:s21] =	ssyncadd.s32 $0xFFFFF800  }
0x42: {  	_ =	swait.ge [sflag:s22], $0x80  }
0x43: {  	[sflag:s22] =	ssyncset.done $0x0  }
0x44: {  	[sflag:s22] =	ssyncadd.s32 $0xFFFFFF80  }
0x45: {  	_ =	swait.ge [sflag:s21], $0x800  }
0x46: {  	[sflag:s21] =	ssyncset.done $0x0  }
0x47: {  	[sflag:s21] =	ssyncadd.s32 $0xFFFFF800  }
0x48: {  	_ =	swait.ge [sflag:s22], $0x80  }
0x49: {  	[sflag:s22] =	ssyncset.done $0x0  }
0x4a: {  	[sflag:s22] =	ssyncadd.s32 $0xFFFFFF80  }
0x4b: {  	_ =	swait.ge [sflag:s21], $0x800  }
0x4c: {  	[sflag:s21] =	ssyncset.done $0x0  }
0x4d: {  	[sflag:s21] =	ssyncadd.s32 $0xFFFFF800  }
0x4e: {  	_ =	swait.ge [sflag:s22], $0x80  }
0x4f: {  	[sflag:s22] =	ssyncset.done $0x0  }
0x50: {  	[sflag:s22] =	ssyncadd.s32 $0xFFFFFF80  }
0x51: {  	_ =	swait.ge [sflag:s21], $0x800  }
0x52: {  	[sflag:s21] =	ssyncset.done $0x0  }
0x53: {  	[sflag:s21] =	ssyncadd.s32 $0xFFFFF800  }
0x54: {  	_ =	swait.ge [sflag:s22], $0x80  }
0x55: {  	[sflag:s22] =	ssyncset.done $0x0  }
0x56: {  	[sflag:s22] =	ssyncadd.s32 $0xFFFFFF80  }
0x57: {  	[hbm4b:s6+s2] =	stream.linear.scatter [tilespmem:s11], [sflag:$0x3], $0xD000, $0x38;
	[tilespmem:$0xEA00] =	vst v63  }
0x58: {  	s23 =	sadd.s32 $0x1, s23;
	_ =	swait.ge [sflag:s9], $0xD000  }
0x59: {  	p0 =	sne.s32 s23, s8;
	[sflag:s9] =	ssyncset.done $0x0  }
.Ltmp1:
0x5a: {  	[sflag:s9] =	ssyncadd.s32 $0xFFFF3000;
	(pc) =	sbr.rel @p0 .LBB2_1-.Ltmp1, $4  }
0x5b: {  	[hbm4b:s7+s2] =	stream.linear.scatter [tilespmem:s12], [sflag:$0x3], $0xD00, $0x38;
	[tilespmem:$0xEA00] =	vst v63  }
0x5c: {  	_ =	swait.ge [sflag:s9], $0xD00  }
0x5d: {  	[sflag:s9] =	ssyncset.done $0x0  }
0x5e: {  	[sflag:s9] =	ssyncadd.s32 $0xFFFFF300  }
0x5f: {  	_ =	sfence.sel $0x180000  }
0x60: {  	[bflag:$0x0] =	sbarrier.arrive $0xFFFF  }
0x61: {  	p0 =	sne.s32 s1, $0x0;
	_ =	strace $0x90000047  }
0x62: {  	s0 =	sadd.s32 @!p0 $0x100000, s0;
	[bflag:$0x2] =	sbarrier.arrive $0xFFFF  }
0x63: {  	[sflag:s0] =	ssyncadd.tile.s32 @!p0 $0x1;
	_ =	shalt  }
.Lfunc_end2:
_tile_overlayer_lowered:
.L_overlay_start_2:
0x64: {  	(tag) =	ssettag $0x2  }
0x65: {  	s0 =	rddreg [dreg:$0x0];
	s2 =	stileid.u32  }
0x66: {  	s1 =	rddreg [dreg:$0x1];
	p0 =	sne.s32 s2, $0x0  }
0x67: {  	s3 =	rddreg [dreg:$0x2];
	[bflag:$0x3] =	sbarrier.arrive $0xFFFF;
	s2 =	simm.s32 @!p0 $0x1C03  }
0x68: {  	[timem:s3], [sflag:s2] =	dma.local @!p0 [hbm:s0], s1  }
0x69: {  	s0 =	simm.s32 @!p0 $0x3  }
0x6a: {  	_ =	swait.ge @!p0 [sflag:s0], s1  }
0x6b: {  	s1 =	ssub.s32 @!p0 $0x0, s1;
	[sflag:s0] =	ssyncset.done @!p0 $0x0  }
0x6c: {  	[sflag:s0] =	ssyncadd.s32 @!p0 s1  }
0x6d: {  	[bflag:$0x3] =	sbarrier.arrive $0xFFFF  }
0x6e: {  	_ =	shalt  }

</sc_bundles>
